<compile_context>
chip_gen: v7x
topology: tpu7x:2x2x1
jax: 0.10.2.dev20260603
libtpu: 0.0.44.dev20260713+nightly
codegen_flags: <defaults>
</compile_context>

<pallas_src>
import functools

import jax
import jax.numpy as jnp
from jax import lax
from jax.experimental import pallas as pl
from jax.experimental.pallas import tpu as pltpu
from jax.experimental.pallas import tpu_sc as plsc

_VOCAB_TILE = 2048


def _head_body(wtb_ref, h5_ref, out_ref):
    out_ref[...] = lax.dot_general(
        wtb_ref[...].astype(jnp.bfloat16),
        h5_ref[...].astype(jnp.bfloat16),
        dimension_numbers=(((0,), (0,)), ((), ())),
        preferred_element_type=jnp.float32,
    )


def _head(wtb, h5):
    V = wtb.shape[1]
    B = h5.shape[1]
    grid = pl.cdiv(V, _VOCAB_TILE)
    return pl.pallas_call(
        _head_body,
        grid=(grid,),
        in_specs=[
            pl.BlockSpec((5, _VOCAB_TILE), lambda j: (0, j)),
            pl.BlockSpec((5, B), lambda j: (0, 0)),
        ],
        out_specs=pl.BlockSpec((_VOCAB_TILE, B), lambda j: (j, 0)),
        out_shape=jax.ShapeDtypeStruct((V, B), jnp.float32),
    )(wtb, h5)


_LANES = 16


def _sc_gather(etab, ids, D, B):
    info = plsc.get_sparse_core_info()
    nw = info.num_cores * info.num_subcores
    bw = B // nw
    nrow = bw * D
    mesh = plsc.VectorSubcoreMesh(core_axis_name="c", subcore_axis_name="s")

    @functools.partial(
        pl.kernel,
        mesh=mesh,
        out_type=jax.ShapeDtypeStruct(((D + 1) * B,), jnp.float32),
        scratch_types=[
            pltpu.VMEM((bw,), jnp.int32),
            pltpu.VMEM((nrow,), jnp.int32),
            pltpu.VMEM((nrow, 128), jnp.float32),
            pltpu.VMEM((nrow,), jnp.float32),
            pltpu.VMEM((bw,), jnp.float32),
            pltpu.SemaphoreType.DMA,
        ],
        compiler_params=pltpu.CompilerParams(needs_layout_passes=False),
    )
    def k(etab_hbm, ids_hbm, out_hbm, idx_v, row_v, rows_v, out_v, one_v, sem):
        wid = lax.axis_index("s") * info.num_cores + lax.axis_index("c")
        base = wid * bw
        pltpu.sync_copy(ids_hbm.at[pl.ds(base, bw)], idx_v)
        for g in range(nrow // _LANES):
            n = lax.iota(jnp.int32, _LANES) + g * _LANES
            tok = lax.bitwise_and(n, bw - 1)
            kdim = lax.shift_right_logical(n, 5)
            tid = plsc.load_gather(idx_v, [tok])
            row_v[pl.ds(g * _LANES, _LANES)] = (
                lax.shift_left(lax.shift_right_logical(tid, 7), 3) + kdim
            )
        pltpu.async_copy(etab_hbm.at[row_v], rows_v, sem).wait()
        for g in range(nrow // _LANES):
            n = lax.iota(jnp.int32, _LANES) + g * _LANES
            tok = lax.bitwise_and(n, bw - 1)
            tid = plsc.load_gather(idx_v, [tok])
            col = lax.bitwise_and(tid, 127)
            out_v[pl.ds(g * _LANES, _LANES)] = plsc.load_gather(
                rows_v, [n, col]
            )
        for kk in range(D):
            pltpu.sync_copy(
                out_v.at[pl.ds(kk * bw, bw)],
                out_hbm.at[pl.ds(kk * B + base, bw)],
            )
        for c in range(bw // _LANES):
            one_v[pl.ds(c * _LANES, _LANES)] = jnp.full(
                (_LANES,), 1.0, jnp.float32
            )
        pltpu.sync_copy(one_v, out_hbm.at[pl.ds(D * B + base, bw)])

    return k(etab, ids)


def kernel(input_ids, emb, W, b):
    B = input_ids.shape[0]
    V, D = emb.shape
    ids = input_ids.astype(jnp.int32)
    ntiles = (V + 127) // 128
    e8 = jnp.pad(emb.T, ((0, 8 - D), (0, ntiles * 128 - V)))
    etab = e8.reshape(8, ntiles, 128).transpose(1, 0, 2).reshape(-1, 128)
    h5 = _sc_gather(etab, ids, D, B).reshape(D + 1, B)
    wtb = jnp.concatenate([W.T, b.reshape(1, -1)], axis=0)
    out_t = _head(wtb, h5)
    return out_t.T

# --- scband reference (transcript-rebuilt; emitter-appended) ---
"""Pipeline reference for scband-toy-model-50216757625472 (READ-ONLY COPY).

The authoritative reference and input builder live on the scoring server;
editing this copy changes nothing except your own understanding.
"""

import jax, jax.numpy as jnp
import numpy as np

VOCAB = 100000
EMBED_DIM = 4

def setup_inputs(seed: int = 0) -> dict:
    key = jax.random.key(seed)
    k1, k2, k3, k4 = jax.random.split(key, 4)
    input_ids = jax.random.randint(k1, (1024,), 0, VOCAB, dtype=jnp.int64 if jax.config.jax_enable_x64 else jnp.int32)
    emb = jax.random.normal(k2, (VOCAB, EMBED_DIM), dtype=jnp.float32)
    # Linear(4, vocab): weight [vocab, 4], bias [vocab]
    W = jax.random.normal(k3, (VOCAB, EMBED_DIM), dtype=jnp.float32) * 0.05
    b = jax.random.normal(k4, (VOCAB,), dtype=jnp.float32) * 0.05
    return {"input_ids": input_ids, "emb": emb, "W": W, "b": b}

def reference(input_ids, emb, W, b):
    # h = Embedding(input_ids)
    h = jnp.take(emb, input_ids, axis=0)  # [B, 4]
    # logits = Linear(h) = h @ W.T + b
    logits = h @ W.T + b  # [B, vocab]
    return logits

if __name__ == "__main__":
    import jax
    _d = setup_inputs()
    print(jax.jit(kernel)(*tuple(_d.values())))

</pallas_src>

<mosaic_0001>
#map = affine_map<(d0, d1) -> (0, 0)>
#map1 = affine_map<(d0, d1) -> (0)>
module attributes {stable_mosaic.version = 14 : i64} {
  func.func @k(%arg0: i32, %arg1: i32, %arg2: memref<6256x128xf32, #tpu.memory_space<hbm>>, %arg3: memref<1024xi32, #tpu.memory_space<hbm>>, %arg4: memref<5120xf32, #tpu.memory_space<hbm>>, %arg5: memref<32xi32, #tpu.memory_space<vmem>>, %arg6: memref<128xi32, #tpu.memory_space<vmem>>, %arg7: memref<128x128xf32, #tpu.memory_space<vmem>>, %arg8: memref<128xf32, #tpu.memory_space<vmem>>, %arg9: memref<32xf32, #tpu.memory_space<vmem>>, %arg10: memref<!tpu.dma_semaphore, #tpu.memory_space<semaphore_mem>>) attributes {dimension_semantics = [#tpu.dimension_semantics<core_parallel>, #tpu.dimension_semantics<subcore_parallel>], iteration_bounds = array<i64: 2, 16>, scalar_prefetch = 0 : i64, scratch_operands = 6 : i64, tpu.core_type = #tpu.core_type<sc_vector_subcore>, window_params = [{transform_indices = #map}, {transform_indices = #map1}, {transform_indices = #map1}]} {
    %mul3A = arith.constant 2 : i32
    %mul3A_0 = arith.muli %arg1, %mul3A : i32
    %add3A = arith.addi %mul3A_0, %arg0 : i32
    %mul3A_1 = arith.constant 32 : i32
    %mul3A_2 = arith.muli %add3A, %mul3A_1 : i32
    "tpu.region"() ({
      %run_scoped3A = tpu.sem_alloc : memref<!tpu.dma_semaphore, #tpu.memory_space<semaphore_mem>>
      %dma_start3A_290 = tpu.memref_slice %arg3[%mul3A_2] : memref<1024xi32, #tpu.memory_space<hbm>> -> memref<32xi32, #tpu.memory_space<hbm>>
      %dma_start3A_291 = tpu.memref_slice %arg3[%mul3A_2] : memref<1024xi32, #tpu.memory_space<hbm>> -> memref<32xi32, #tpu.memory_space<hbm>>
      tpu.enqueue_dma source(%dma_start3A_291 : memref<32xi32, #tpu.memory_space<hbm>>) target(%arg5 : memref<32xi32, #tpu.memory_space<vmem>>) target_semaphore(%run_scoped3A : memref<!tpu.dma_semaphore, #tpu.memory_space<semaphore_mem>>)
      %dma_wait3A_292 = tpu.memref_slice %arg3[%mul3A_2] : memref<1024xi32, #tpu.memory_space<hbm>> -> memref<32xi32, #tpu.memory_space<hbm>>
      %dma_wait3A_293 = tpu.memref_slice %arg3[%mul3A_2] : memref<1024xi32, #tpu.memory_space<hbm>> -> memref<32xi32, #tpu.memory_space<hbm>>
      tpu.wait_dma2 semaphore(%run_scoped3A : memref<!tpu.dma_semaphore, #tpu.memory_space<semaphore_mem>>) src(%dma_wait3A_293 : memref<32xi32, #tpu.memory_space<hbm>>) dst(%arg5 : memref<32xi32, #tpu.memory_space<vmem>>)
      tpu.yield
    }) : () -> ()
    %iota3A = tpu.iota {dimensions = array<i32: 0>} : vector<16xi32>
    %add3A_3 = arith.constant 0 : i32
    %add3A_4 = vector.broadcast %add3A_3 : i32 to vector<16xi32>
    %add3A_5 = arith.addi %iota3A, %add3A_4 : vector<16xi32>
    %and3A = arith.constant 31 : i32
    %and3A_6 = vector.broadcast %and3A : i32 to vector<16xi32>
    %and3A_7 = arith.andi %add3A_5, %and3A_6 : vector<16xi32>
    %shift_right_logical3A = arith.constant 5 : i32
    %shift_right_logical3A_8 = vector.broadcast %shift_right_logical3A : i32 to vector<16xi32>
    %shift_right_logical3A_9 = arith.shrui %add3A_5, %shift_right_logical3A_8 : vector<16xi32>
    %gather3A = tpu.vector_load_idx %arg5[%and3A_7] : memref<32xi32, #tpu.memory_space<vmem>>[vector<16xi32>], vector<16xi32>,
    %shift_right_logical3A_10 = arith.constant 7 : i32
    %shift_right_logical3A_11 = vector.broadcast %shift_right_logical3A_10 : i32 to vector<16xi32>
    %shift_right_logical3A_12 = arith.shrui %gather3A, %shift_right_logical3A_11 : vector<16xi32>
    %shift_left3A = arith.constant 3 : i32
    %shift_left3A_13 = vector.broadcast %shift_left3A : i32 to vector<16xi32>
    %shift_left3A_14 = arith.shli %shift_right_logical3A_12, %shift_left3A_13 : vector<16xi32>
    %add3A_15 = arith.addi %shift_left3A_14, %shift_right_logical3A_9 : vector<16xi32>
    %swap3A = arith.constant 0 : index
    %swap3A_16 = tpu.vector_load %arg6[%swap3A] {strides = array<i32>} : memref<128xi32, #tpu.memory_space<vmem>>, vector<16xi32>,
    tpu.vector_store %arg6[%swap3A], %add3A_15 {strides = array<i32>} : memref<128xi32, #tpu.memory_space<vmem>>, vector<16xi32>,
    %iota3A_17 = tpu.iota {dimensions = array<i32: 0>} : vector<16xi32>
    %add3A_18 = arith.constant 16 : i32
    %add3A_19 = vector.broadcast %add3A_18 : i32 to vector<16xi32>
    %add3A_20 = arith.addi %iota3A_17, %add3A_19 : vector<16xi32>
    %and3A_21 = arith.constant 31 : i32
    %and3A_22 = vector.broadcast %and3A_21 : i32 to vector<16xi32>
    %and3A_23 = arith.andi %add3A_20, %and3A_22 : vector<16xi32>
    %shift_right_logical3A_24 = arith.constant 5 : i32
    %shift_right_logical3A_25 = vector.broadcast %shift_right_logical3A_24 : i32 to vector<16xi32>
    %shift_right_logical3A_26 = arith.shrui %add3A_20, %shift_right_logical3A_25 : vector<16xi32>
    %gather3A_27 = tpu.vector_load_idx %arg5[%and3A_23] : memref<32xi32, #tpu.memory_space<vmem>>[vector<16xi32>], vector<16xi32>,
    %shift_right_logical3A_28 = arith.constant 7 : i32
    %shift_right_logical3A_29 = vector.broadcast %shift_right_logical3A_28 : i32 to vector<16xi32>
    %shift_right_logical3A_30 = arith.shrui %gather3A_27, %shift_right_logical3A_29 : vector<16xi32>
    %shift_left3A_31 = arith.constant 3 : i32
    %shift_left3A_32 = vector.broadcast %shift_left3A_31 : i32 to vector<16xi32>
    %shift_left3A_33 = arith.shli %shift_right_logical3A_30, %shift_left3A_32 : vector<16xi32>
    %add3A_34 = arith.addi %shift_left3A_33, %shift_right_logical3A_26 : vector<16xi32>
    %swap3A_35 = arith.constant 16 : index
    %swap3A_36 = tpu.vector_load %arg6[%swap3A_35] {strides = array<i32>} : memref<128xi32, #tpu.memory_space<vmem>>, vector<16xi32>,
    tpu.vector_store %arg6[%swap3A_35], %add3A_34 {strides = array<i32>} : memref<128xi32, #tpu.memory_space<vmem>>, vector<16xi32>,
    %iota3A_37 = tpu.iota {dimensions = array<i32: 0>} : vector<16xi32>
    %add3A_38 = arith.constant 32 : i32
    %add3A_39 = vector.broadcast %add3A_38 : i32 to vector<16xi32>
    %add3A_40 = arith.addi %iota3A_37, %add3A_39 : vector<16xi32>
    %and3A_41 = arith.constant 31 : i32
    %and3A_42 = vector.broadcast %and3A_41 : i32 to vector<16xi32>
    %and3A_43 = arith.andi %add3A_40, %and3A_42 : vector<16xi32>
    %shift_right_logical3A_44 = arith.constant 5 : i32
    %shift_right_logical3A_45 = vector.broadcast %shift_right_logical3A_44 : i32 to vector<16xi32>
    %shift_right_logical3A_46 = arith.shrui %add3A_40, %shift_right_logical3A_45 : vector<16xi32>
    %gather3A_47 = tpu.vector_load_idx %arg5[%and3A_43] : memref<32xi32, #tpu.memory_space<vmem>>[vector<16xi32>], vector<16xi32>,
    %shift_right_logical3A_48 = arith.constant 7 : i32
    %shift_right_logical3A_49 = vector.broadcast %shift_right_logical3A_48 : i32 to vector<16xi32>
    %shift_right_logical3A_50 = arith.shrui %gather3A_47, %shift_right_logical3A_49 : vector<16xi32>
    %shift_left3A_51 = arith.constant 3 : i32
    %shift_left3A_52 = vector.broadcast %shift_left3A_51 : i32 to vector<16xi32>
    %shift_left3A_53 = arith.shli %shift_right_logical3A_50, %shift_left3A_52 : vector<16xi32>
    %add3A_54 = arith.addi %shift_left3A_53, %shift_right_logical3A_46 : vector<16xi32>
    %swap3A_55 = arith.constant 32 : index
    %swap3A_56 = tpu.vector_load %arg6[%swap3A_55] {strides = array<i32>} : memref<128xi32, #tpu.memory_space<vmem>>, vector<16xi32>,
    tpu.vector_store %arg6[%swap3A_55], %add3A_54 {strides = array<i32>} : memref<128xi32, #tpu.memory_space<vmem>>, vector<16xi32>,
    %iota3A_57 = tpu.iota {dimensions = array<i32: 0>} : vector<16xi32>
    %add3A_58 = arith.constant 48 : i32
    %add3A_59 = vector.broadcast %add3A_58 : i32 to vector<16xi32>
    %add3A_60 = arith.addi %iota3A_57, %add3A_59 : vector<16xi32>
    %and3A_61 = arith.constant 31 : i32
    %and3A_62 = vector.broadcast %and3A_61 : i32 to vector<16xi32>
    %and3A_63 = arith.andi %add3A_60, %and3A_62 : vector<16xi32>
    %shift_right_logical3A_64 = arith.constant 5 : i32
    %shift_right_logical3A_65 = vector.broadcast %shift_right_logical3A_64 : i32 to vector<16xi32>
    %shift_right_logical3A_66 = arith.shrui %add3A_60, %shift_right_logical3A_65 : vector<16xi32>
    %gather3A_67 = tpu.vector_load_idx %arg5[%and3A_63] : memref<32xi32, #tpu.memory_space<vmem>>[vector<16xi32>], vector<16xi32>,
    %shift_right_logical3A_68 = arith.constant 7 : i32
    %shift_right_logical3A_69 = vector.broadcast %shift_right_logical3A_68 : i32 to vector<16xi32>
    %shift_right_logical3A_70 = arith.shrui %gather3A_67, %shift_right_logical3A_69 : vector<16xi32>
    %shift_left3A_71 = arith.constant 3 : i32
    %shift_left3A_72 = vector.broadcast %shift_left3A_71 : i32 to vector<16xi32>
    %shift_left3A_73 = arith.shli %shift_right_logical3A_70, %shift_left3A_72 : vector<16xi32>
    %add3A_74 = arith.addi %shift_left3A_73, %shift_right_logical3A_66 : vector<16xi32>
    %swap3A_75 = arith.constant 48 : index
    %swap3A_76 = tpu.vector_load %arg6[%swap3A_75] {strides = array<i32>} : memref<128xi32, #tpu.memory_space<vmem>>, vector<16xi32>,
    tpu.vector_store %arg6[%swap3A_75], %add3A_74 {strides = array<i32>} : memref<128xi32, #tpu.memory_space<vmem>>, vector<16xi32>,
    %iota3A_77 = tpu.iota {dimensions = array<i32: 0>} : vector<16xi32>
    %add3A_78 = arith.constant 64 : i32
    %add3A_79 = vector.broadcast %add3A_78 : i32 to vector<16xi32>
    %add3A_80 = arith.addi %iota3A_77, %add3A_79 : vector<16xi32>
    %and3A_81 = arith.constant 31 : i32
    %and3A_82 = vector.broadcast %and3A_81 : i32 to vector<16xi32>
    %and3A_83 = arith.andi %add3A_80, %and3A_82 : vector<16xi32>
    %shift_right_logical3A_84 = arith.constant 5 : i32
    %shift_right_logical3A_85 = vector.broadcast %shift_right_logical3A_84 : i32 to vector<16xi32>
    %shift_right_logical3A_86 = arith.shrui %add3A_80, %shift_right_logical3A_85 : vector<16xi32>
    %gather3A_87 = tpu.vector_load_idx %arg5[%and3A_83] : memref<32xi32, #tpu.memory_space<vmem>>[vector<16xi32>], vector<16xi32>,
    %shift_right_logical3A_88 = arith.constant 7 : i32
    %shift_right_logical3A_89 = vector.broadcast %shift_right_logical3A_88 : i32 to vector<16xi32>
    %shift_right_logical3A_90 = arith.shrui %gather3A_87, %shift_right_logical3A_89 : vector<16xi32>
    %shift_left3A_91 = arith.constant 3 : i32
    %shift_left3A_92 = vector.broadcast %shift_left3A_91 : i32 to vector<16xi32>
    %shift_left3A_93 = arith.shli %shift_right_logical3A_90, %shift_left3A_92 : vector<16xi32>
    %add3A_94 = arith.addi %shift_left3A_93, %shift_right_logical3A_86 : vector<16xi32>
    %swap3A_95 = arith.constant 64 : index
    %swap3A_96 = tpu.vector_load %arg6[%swap3A_95] {strides = array<i32>} : memref<128xi32, #tpu.memory_space<vmem>>, vector<16xi32>,
    tpu.vector_store %arg6[%swap3A_95], %add3A_94 {strides = array<i32>} : memref<128xi32, #tpu.memory_space<vmem>>, vector<16xi32>,
    %iota3A_97 = tpu.iota {dimensions = array<i32: 0>} : vector<16xi32>
    %add3A_98 = arith.constant 80 : i32
    %add3A_99 = vector.broadcast %add3A_98 : i32 to vector<16xi32>
    %add3A_100 = arith.addi %iota3A_97, %add3A_99 : vector<16xi32>
    %and3A_101 = arith.constant 31 : i32
    %and3A_102 = vector.broadcast %and3A_101 : i32 to vector<16xi32>
    %and3A_103 = arith.andi %add3A_100, %and3A_102 : vector<16xi32>
    %shift_right_logical3A_104 = arith.constant 5 : i32
    %shift_right_logical3A_105 = vector.broadcast %shift_right_logical3A_104 : i32 to vector<16xi32>
    %shift_right_logical3A_106 = arith.shrui %add3A_100, %shift_right_logical3A_105 : vector<16xi32>
    %gather3A_107 = tpu.vector_load_idx %arg5[%and3A_103] : memref<32xi32, #tpu.memory_space<vmem>>[vector<16xi32>], vector<16xi32>,
    %shift_right_logical3A_108 = arith.constant 7 : i32
    %shift_right_logical3A_109 = vector.broadcast %shift_right_logical3A_108 : i32 to vector<16xi32>
    %shift_right_logical3A_110 = arith.shrui %gather3A_107, %shift_right_logical3A_109 : vector<16xi32>
    %shift_left3A_111 = arith.constant 3 : i32
    %shift_left3A_112 = vector.broadcast %shift_left3A_111 : i32 to vector<16xi32>
    %shift_left3A_113 = arith.shli %shift_right_logical3A_110, %shift_left3A_112 : vector<16xi32>
    %add3A_114 = arith.addi %shift_left3A_113, %shift_right_logical3A_106 : vector<16xi32>
    %swap3A_115 = arith.constant 80 : index
    %swap3A_116 = tpu.vector_load %arg6[%swap3A_115] {strides = array<i32>} : memref<128xi32, #tpu.memory_space<vmem>>, vector<16xi32>,
    tpu.vector_store %arg6[%swap3A_115], %add3A_114 {strides = array<i32>} : memref<128xi32, #tpu.memory_space<vmem>>, vector<16xi32>,
    %iota3A_117 = tpu.iota {dimensions = array<i32: 0>} : vector<16xi32>
    %add3A_118 = arith.constant 96 : i32
    %add3A_119 = vector.broadcast %add3A_118 : i32 to vector<16xi32>
    %add3A_120 = arith.addi %iota3A_117, %add3A_119 : vector<16xi32>
    %and3A_121 = arith.constant 31 : i32
    %and3A_122 = vector.broadcast %and3A_121 : i32 to vector<16xi32>
    %and3A_123 = arith.andi %add3A_120, %and3A_122 : vector<16xi32>
    %shift_right_logical3A_124 = arith.constant 5 : i32
    %shift_right_logical3A_125 = vector.broadcast %shift_right_logical3A_124 : i32 to vector<16xi32>
    %shift_right_logical3A_126 = arith.shrui %add3A_120, %shift_right_logical3A_125 : vector<16xi32>
    %gather3A_127 = tpu.vector_load_idx %arg5[%and3A_123] : memref<32xi32, #tpu.memory_space<vmem>>[vector<16xi32>], vector<16xi32>,
    %shift_right_logical3A_128 = arith.constant 7 : i32
    %shift_right_logical3A_129 = vector.broadcast %shift_right_logical3A_128 : i32 to vector<16xi32>
    %shift_right_logical3A_130 = arith.shrui %gather3A_127, %shift_right_logical3A_129 : vector<16xi32>
    %shift_left3A_131 = arith.constant 3 : i32
    %shift_left3A_132 = vector.broadcast %shift_left3A_131 : i32 to vector<16xi32>
    %shift_left3A_133 = arith.shli %shift_right_logical3A_130, %shift_left3A_132 : vector<16xi32>
    %add3A_134 = arith.addi %shift_left3A_133, %shift_right_logical3A_126 : vector<16xi32>
    %swap3A_135 = arith.constant 96 : index
    %swap3A_136 = tpu.vector_load %arg6[%swap3A_135] {strides = array<i32>} : memref<128xi32, #tpu.memory_space<vmem>>, vector<16xi32>,
    tpu.vector_store %arg6[%swap3A_135], %add3A_134 {strides = array<i32>} : memref<128xi32, #tpu.memory_space<vmem>>, vector<16xi32>,
    %iota3A_137 = tpu.iota {dimensions = array<i32: 0>} : vector<16xi32>
    %add3A_138 = arith.constant 112 : i32
    %add3A_139 = vector.broadcast %add3A_138 : i32 to vector<16xi32>
    %add3A_140 = arith.addi %iota3A_137, %add3A_139 : vector<16xi32>
    %and3A_141 = arith.constant 31 : i32
    %and3A_142 = vector.broadcast %and3A_141 : i32 to vector<16xi32>
    %and3A_143 = arith.andi %add3A_140, %and3A_142 : vector<16xi32>
    %shift_right_logical3A_144 = arith.constant 5 : i32
    %shift_right_logical3A_145 = vector.broadcast %shift_right_logical3A_144 : i32 to vector<16xi32>
    %shift_right_logical3A_146 = arith.shrui %add3A_140, %shift_right_logical3A_145 : vector<16xi32>
    %gather3A_147 = tpu.vector_load_idx %arg5[%and3A_143] : memref<32xi32, #tpu.memory_space<vmem>>[vector<16xi32>], vector<16xi32>,
    %shift_right_logical3A_148 = arith.constant 7 : i32
    %shift_right_logical3A_149 = vector.broadcast %shift_right_logical3A_148 : i32 to vector<16xi32>
    %shift_right_logical3A_150 = arith.shrui %gather3A_147, %shift_right_logical3A_149 : vector<16xi32>
    %shift_left3A_151 = arith.constant 3 : i32
    %shift_left3A_152 = vector.broadcast %shift_left3A_151 : i32 to vector<16xi32>
    %shift_left3A_153 = arith.shli %shift_right_logical3A_150, %shift_left3A_152 : vector<16xi32>
    %add3A_154 = arith.addi %shift_left3A_153, %shift_right_logical3A_146 : vector<16xi32>
    %swap3A_155 = arith.constant 112 : index
    %swap3A_156 = tpu.vector_load %arg6[%swap3A_155] {strides = array<i32>} : memref<128xi32, #tpu.memory_space<vmem>>, vector<16xi32>,
    tpu.vector_store %arg6[%swap3A_155], %add3A_154 {strides = array<i32>} : memref<128xi32, #tpu.memory_space<vmem>>, vector<16xi32>,
    %dma_start3A = arith.constant 0 : i32
    %dma_start3A_157 = arith.constant 0 : i32
    %dma_start3A_158 = tpu.memref_slice %arg2[%dma_start3A, %dma_start3A_157] : memref<6256x128xf32, #tpu.memory_space<hbm>> -> memref<6256x128xf32, #tpu.memory_space<hbm>>
    tpu.enqueue_indirect_dma source(%dma_start3A_158 : memref<6256x128xf32, #tpu.memory_space<hbm>>) target(%arg7 : memref<128x128xf32, #tpu.memory_space<vmem>>) offsets(%arg6 : memref<128xi32, #tpu.memory_space<vmem>>) semaphore(%arg10 : memref<!tpu.dma_semaphore, #tpu.memory_space<semaphore_mem>>)
    %dma_wait3A = arith.constant 0 : i32
    %dma_wait3A_159 = arith.constant 0 : i32
    %dma_wait3A_160 = tpu.memref_slice %arg2[%dma_wait3A, %dma_wait3A_159] : memref<6256x128xf32, #tpu.memory_space<hbm>> -> memref<6256x128xf32, #tpu.memory_space<hbm>>
    tpu.wait_indirect_dma semaphore(%arg10 : memref<!tpu.dma_semaphore, #tpu.memory_space<semaphore_mem>>) src(%dma_wait3A_160 : memref<6256x128xf32, #tpu.memory_space<hbm>>) dst(%arg7 : memref<128x128xf32, #tpu.memory_space<vmem>>)
    %iota3A_161 = tpu.iota {dimensions = array<i32: 0>} : vector<16xi32>
    %add3A_162 = arith.constant 0 : i32
    %add3A_163 = vector.broadcast %add3A_162 : i32 to vector<16xi32>
    %add3A_164 = arith.addi %iota3A_161, %add3A_163 : vector<16xi32>
    %and3A_165 = arith.constant 31 : i32
    %and3A_166 = vector.broadcast %and3A_165 : i32 to vector<16xi32>
    %and3A_167 = arith.andi %add3A_164, %and3A_166 : vector<16xi32>
    %gather3A_168 = tpu.vector_load_idx %arg5[%and3A_167] : memref<32xi32, #tpu.memory_space<vmem>>[vector<16xi32>], vector<16xi32>,
    %and3A_169 = arith.constant 127 : i32
    %and3A_170 = vector.broadcast %and3A_169 : i32 to vector<16xi32>
    %and3A_171 = arith.andi %gather3A_168, %and3A_170 : vector<16xi32>
    %gather3A_172 = tpu.vector_load_idx %arg7[%add3A_164, %and3A_171] : memref<128x128xf32, #tpu.memory_space<vmem>>[vector<16xi32>, vector<16xi32>], vector<16xf32>,
    %swap3A_173 = arith.constant 0 : index
    %swap3A_174 = tpu.vector_load %arg8[%swap3A_173] {strides = array<i32>} : memref<128xf32, #tpu.memory_space<vmem>>, vector<16xf32>,
    tpu.vector_store %arg8[%swap3A_173], %gather3A_172 {strides = array<i32>} : memref<128xf32, #tpu.memory_space<vmem>>, vector<16xf32>,
    %iota3A_175 = tpu.iota {dimensions = array<i32: 0>} : vector<16xi32>
    %add3A_176 = arith.constant 16 : i32
    %add3A_177 = vector.broadcast %add3A_176 : i32 to vector<16xi32>
    %add3A_178 = arith.addi %iota3A_175, %add3A_177 : vector<16xi32>
    %and3A_179 = arith.constant 31 : i32
    %and3A_180 = vector.broadcast %and3A_179 : i32 to vector<16xi32>
    %and3A_181 = arith.andi %add3A_178, %and3A_180 : vector<16xi32>
    %gather3A_182 = tpu.vector_load_idx %arg5[%and3A_181] : memref<32xi32, #tpu.memory_space<vmem>>[vector<16xi32>], vector<16xi32>,
    %and3A_183 = arith.constant 127 : i32
    %and3A_184 = vector.broadcast %and3A_183 : i32 to vector<16xi32>
    %and3A_185 = arith.andi %gather3A_182, %and3A_184 : vector<16xi32>
    %gather3A_186 = tpu.vector_load_idx %arg7[%add3A_178, %and3A_185] : memref<128x128xf32, #tpu.memory_space<vmem>>[vector<16xi32>, vector<16xi32>], vector<16xf32>,
    %swap3A_187 = arith.constant 16 : index
    %swap3A_188 = tpu.vector_load %arg8[%swap3A_187] {strides = array<i32>} : memref<128xf32, #tpu.memory_space<vmem>>, vector<16xf32>,
    tpu.vector_store %arg8[%swap3A_187], %gather3A_186 {strides = array<i32>} : memref<128xf32, #tpu.memory_space<vmem>>, vector<16xf32>,
    %iota3A_189 = tpu.iota {dimensions = array<i32: 0>} : vector<16xi32>
    %add3A_190 = arith.constant 32 : i32
    %add3A_191 = vector.broadcast %add3A_190 : i32 to vector<16xi32>
    %add3A_192 = arith.addi %iota3A_189, %add3A_191 : vector<16xi32>
    %and3A_193 = arith.constant 31 : i32
    %and3A_194 = vector.broadcast %and3A_193 : i32 to vector<16xi32>
    %and3A_195 = arith.andi %add3A_192, %and3A_194 : vector<16xi32>
    %gather3A_196 = tpu.vector_load_idx %arg5[%and3A_195] : memref<32xi32, #tpu.memory_space<vmem>>[vector<16xi32>], vector<16xi32>,
    %and3A_197 = arith.constant 127 : i32
    %and3A_198 = vector.broadcast %and3A_197 : i32 to vector<16xi32>
    %and3A_199 = arith.andi %gather3A_196, %and3A_198 : vector<16xi32>
    %gather3A_200 = tpu.vector_load_idx %arg7[%add3A_192, %and3A_199] : memref<128x128xf32, #tpu.memory_space<vmem>>[vector<16xi32>, vector<16xi32>], vector<16xf32>,
    %swap3A_201 = arith.constant 32 : index
    %swap3A_202 = tpu.vector_load %arg8[%swap3A_201] {strides = array<i32>} : memref<128xf32, #tpu.memory_space<vmem>>, vector<16xf32>,
    tpu.vector_store %arg8[%swap3A_201], %gather3A_200 {strides = array<i32>} : memref<128xf32, #tpu.memory_space<vmem>>, vector<16xf32>,
    %iota3A_203 = tpu.iota {dimensions = array<i32: 0>} : vector<16xi32>
    %add3A_204 = arith.constant 48 : i32
    %add3A_205 = vector.broadcast %add3A_204 : i32 to vector<16xi32>
    %add3A_206 = arith.addi %iota3A_203, %add3A_205 : vector<16xi32>
    %and3A_207 = arith.constant 31 : i32
    %and3A_208 = vector.broadcast %and3A_207 : i32 to vector<16xi32>
    %and3A_209 = arith.andi %add3A_206, %and3A_208 : vector<16xi32>
    %gather3A_210 = tpu.vector_load_idx %arg5[%and3A_209] : memref<32xi32, #tpu.memory_space<vmem>>[vector<16xi32>], vector<16xi32>,
    %and3A_211 = arith.constant 127 : i32
    %and3A_212 = vector.broadcast %and3A_211 : i32 to vector<16xi32>
    %and3A_213 = arith.andi %gather3A_210, %and3A_212 : vector<16xi32>
    %gather3A_214 = tpu.vector_load_idx %arg7[%add3A_206, %and3A_213] : memref<128x128xf32, #tpu.memory_space<vmem>>[vector<16xi32>, vector<16xi32>], vector<16xf32>,
    %swap3A_215 = arith.constant 48 : index
    %swap3A_216 = tpu.vector_load %arg8[%swap3A_215] {strides = array<i32>} : memref<128xf32, #tpu.memory_space<vmem>>, vector<16xf32>,
    tpu.vector_store %arg8[%swap3A_215], %gather3A_214 {strides = array<i32>} : memref<128xf32, #tpu.memory_space<vmem>>, vector<16xf32>,
    %iota3A_217 = tpu.iota {dimensions = array<i32: 0>} : vector<16xi32>
    %add3A_218 = arith.constant 64 : i32
    %add3A_219 = vector.broadcast %add3A_218 : i32 to vector<16xi32>
    %add3A_220 = arith.addi %iota3A_217, %add3A_219 : vector<16xi32>
    %and3A_221 = arith.constant 31 : i32
    %and3A_222 = vector.broadcast %and3A_221 : i32 to vector<16xi32>
    %and3A_223 = arith.andi %add3A_220, %and3A_222 : vector<16xi32>
    %gather3A_224 = tpu.vector_load_idx %arg5[%and3A_223] : memref<32xi32, #tpu.memory_space<vmem>>[vector<16xi32>], vector<16xi32>,
    %and3A_225 = arith.constant 127 : i32
    %and3A_226 = vector.broadcast %and3A_225 : i32 to vector<16xi32>
    %and3A_227 = arith.andi %gather3A_224, %and3A_226 : vector<16xi32>
    %gather3A_228 = tpu.vector_load_idx %arg7[%add3A_220, %and3A_227] : memref<128x128xf32, #tpu.memory_space<vmem>>[vector<16xi32>, vector<16xi32>], vector<16xf32>,
    %swap3A_229 = arith.constant 64 : index
    %swap3A_230 = tpu.vector_load %arg8[%swap3A_229] {strides = array<i32>} : memref<128xf32, #tpu.memory_space<vmem>>, vector<16xf32>,
    tpu.vector_store %arg8[%swap3A_229], %gather3A_228 {strides = array<i32>} : memref<128xf32, #tpu.memory_space<vmem>>, vector<16xf32>,
    %iota3A_231 = tpu.iota {dimensions = array<i32: 0>} : vector<16xi32>
    %add3A_232 = arith.constant 80 : i32
    %add3A_233 = vector.broadcast %add3A_232 : i32 to vector<16xi32>
    %add3A_234 = arith.addi %iota3A_231, %add3A_233 : vector<16xi32>
    %and3A_235 = arith.constant 31 : i32
    %and3A_236 = vector.broadcast %and3A_235 : i32 to vector<16xi32>
    %and3A_237 = arith.andi %add3A_234, %and3A_236 : vector<16xi32>
    %gather3A_238 = tpu.vector_load_idx %arg5[%and3A_237] : memref<32xi32, #tpu.memory_space<vmem>>[vector<16xi32>], vector<16xi32>,
    %and3A_239 = arith.constant 127 : i32
    %and3A_240 = vector.broadcast %and3A_239 : i32 to vector<16xi32>
    %and3A_241 = arith.andi %gather3A_238, %and3A_240 : vector<16xi32>
    %gather3A_242 = tpu.vector_load_idx %arg7[%add3A_234, %and3A_241] : memref<128x128xf32, #tpu.memory_space<vmem>>[vector<16xi32>, vector<16xi32>], vector<16xf32>,
    %swap3A_243 = arith.constant 80 : index
    %swap3A_244 = tpu.vector_load %arg8[%swap3A_243] {strides = array<i32>} : memref<128xf32, #tpu.memory_space<vmem>>, vector<16xf32>,
    tpu.vector_store %arg8[%swap3A_243], %gather3A_242 {strides = array<i32>} : memref<128xf32, #tpu.memory_space<vmem>>, vector<16xf32>,
    %iota3A_245 = tpu.iota {dimensions = array<i32: 0>} : vector<16xi32>
    %add3A_246 = arith.constant 96 : i32
    %add3A_247 = vector.broadcast %add3A_246 : i32 to vector<16xi32>
    %add3A_248 = arith.addi %iota3A_245, %add3A_247 : vector<16xi32>
    %and3A_249 = arith.constant 31 : i32
    %and3A_250 = vector.broadcast %and3A_249 : i32 to vector<16xi32>
    %and3A_251 = arith.andi %add3A_248, %and3A_250 : vector<16xi32>
    %gather3A_252 = tpu.vector_load_idx %arg5[%and3A_251] : memref<32xi32, #tpu.memory_space<vmem>>[vector<16xi32>], vector<16xi32>,
    %and3A_253 = arith.constant 127 : i32
    %and3A_254 = vector.broadcast %and3A_253 : i32 to vector<16xi32>
    %and3A_255 = arith.andi %gather3A_252, %and3A_254 : vector<16xi32>
    %gather3A_256 = tpu.vector_load_idx %arg7[%add3A_248, %and3A_255] : memref<128x128xf32, #tpu.memory_space<vmem>>[vector<16xi32>, vector<16xi32>], vector<16xf32>,
    %swap3A_257 = arith.constant 96 : index
    %swap3A_258 = tpu.vector_load %arg8[%swap3A_257] {strides = array<i32>} : memref<128xf32, #tpu.memory_space<vmem>>, vector<16xf32>,
    tpu.vector_store %arg8[%swap3A_257], %gather3A_256 {strides = array<i32>} : memref<128xf32, #tpu.memory_space<vmem>>, vector<16xf32>,
    %iota3A_259 = tpu.iota {dimensions = array<i32: 0>} : vector<16xi32>
    %add3A_260 = arith.constant 112 : i32
    %add3A_261 = vector.broadcast %add3A_260 : i32 to vector<16xi32>
    %add3A_262 = arith.addi %iota3A_259, %add3A_261 : vector<16xi32>
    %and3A_263 = arith.constant 31 : i32
    %and3A_264 = vector.broadcast %and3A_263 : i32 to vector<16xi32>
    %and3A_265 = arith.andi %add3A_262, %and3A_264 : vector<16xi32>
    %gather3A_266 = tpu.vector_load_idx %arg5[%and3A_265] : memref<32xi32, #tpu.memory_space<vmem>>[vector<16xi32>], vector<16xi32>,
    %and3A_267 = arith.constant 127 : i32
    %and3A_268 = vector.broadcast %and3A_267 : i32 to vector<16xi32>
    %and3A_269 = arith.andi %gather3A_266, %and3A_268 : vector<16xi32>
    %gather3A_270 = tpu.vector_load_idx %arg7[%add3A_262, %and3A_269] : memref<128x128xf32, #tpu.memory_space<vmem>>[vector<16xi32>, vector<16xi32>], vector<16xf32>,
    %swap3A_271 = arith.constant 112 : index
    %swap3A_272 = tpu.vector_load %arg8[%swap3A_271] {strides = array<i32>} : memref<128xf32, #tpu.memory_space<vmem>>, vector<16xf32>,
    tpu.vector_store %arg8[%swap3A_271], %gather3A_270 {strides = array<i32>} : memref<128xf32, #tpu.memory_space<vmem>>, vector<16xf32>,
    %add3A_273 = arith.constant 0 : i32
    %add3A_274 = arith.addi %add3A_273, %mul3A_2 : i32
    "tpu.region"() ({
      %run_scoped3A = tpu.sem_alloc : memref<!tpu.dma_semaphore, #tpu.memory_space<semaphore_mem>>
      %dma_start3A_290 = arith.constant 0 : i32
      %dma_start3A_291 = tpu.memref_slice %arg8[%dma_start3A_290] : memref<128xf32, #tpu.memory_space<vmem>> -> memref<32xf32, #tpu.memory_space<vmem>>
      %dma_start3A_292 = tpu.memref_slice %arg4[%add3A_274] : memref<5120xf32, #tpu.memory_space<hbm>> -> memref<32xf32, #tpu.memory_space<hbm>>
      %dma_start3A_293 = tpu.memref_slice %arg4[%add3A_274] : memref<5120xf32, #tpu.memory_space<hbm>> -> memref<32xf32, #tpu.memory_space<hbm>>
      %dma_start3A_294 = arith.constant 0 : i32
      %dma_start3A_295 = tpu.memref_slice %arg8[%dma_start3A_294] : memref<128xf32, #tpu.memory_space<vmem>> -> memref<32xf32, #tpu.memory_space<vmem>>
      tpu.enqueue_dma source(%dma_start3A_295 : memref<32xf32, #tpu.memory_space<vmem>>) target(%dma_start3A_293 : memref<32xf32, #tpu.memory_space<hbm>>) target_semaphore(%run_scoped3A : memref<!tpu.dma_semaphore, #tpu.memory_space<semaphore_mem>>)
      %dma_wait3A_296 = arith.constant 0 : i32
      %dma_wait3A_297 = tpu.memref_slice %arg8[%dma_wait3A_296] : memref<128xf32, #tpu.memory_space<vmem>> -> memref<32xf32, #tpu.memory_space<vmem>>
      %dma_wait3A_298 = tpu.memref_slice %arg4[%add3A_274] : memref<5120xf32, #tpu.memory_space<hbm>> -> memref<32xf32, #tpu.memory_space<hbm>>
      %dma_wait3A_299 = tpu.memref_slice %arg4[%add3A_274] : memref<5120xf32, #tpu.memory_space<hbm>> -> memref<32xf32, #tpu.memory_space<hbm>>
      %dma_wait3A_300 = arith.constant 0 : i32
      %dma_wait3A_301 = tpu.memref_slice %arg8[%dma_wait3A_300] : memref<128xf32, #tpu.memory_space<vmem>> -> memref<32xf32, #tpu.memory_space<vmem>>
      tpu.wait_dma2 semaphore(%run_scoped3A : memref<!tpu.dma_semaphore, #tpu.memory_space<semaphore_mem>>) src(%dma_wait3A_301 : memref<32xf32, #tpu.memory_space<vmem>>) dst(%dma_wait3A_299 : memref<32xf32, #tpu.memory_space<hbm>>)
      tpu.yield
    }) : () -> ()
    %add3A_275 = arith.constant 1024 : i32
    %add3A_276 = arith.addi %add3A_275, %mul3A_2 : i32
    "tpu.region"() ({
      %run_scoped3A = tpu.sem_alloc : memref<!tpu.dma_semaphore, #tpu.memory_space<semaphore_mem>>
      %dma_start3A_290 = arith.constant 32 : i32
      %dma_start3A_291 = tpu.memref_slice %arg8[%dma_start3A_290] : memref<128xf32, #tpu.memory_space<vmem>> -> memref<32xf32, #tpu.memory_space<vmem>>
      %dma_start3A_292 = tpu.memref_slice %arg4[%add3A_276] : memref<5120xf32, #tpu.memory_space<hbm>> -> memref<32xf32, #tpu.memory_space<hbm>>
      %dma_start3A_293 = tpu.memref_slice %arg4[%add3A_276] : memref<5120xf32, #tpu.memory_space<hbm>> -> memref<32xf32, #tpu.memory_space<hbm>>
      %dma_start3A_294 = arith.constant 32 : i32
      %dma_start3A_295 = tpu.memref_slice %arg8[%dma_start3A_294] : memref<128xf32, #tpu.memory_space<vmem>> -> memref<32xf32, #tpu.memory_space<vmem>>
      tpu.enqueue_dma source(%dma_start3A_295 : memref<32xf32, #tpu.memory_space<vmem>>) target(%dma_start3A_293 : memref<32xf32, #tpu.memory_space<hbm>>) target_semaphore(%run_scoped3A : memref<!tpu.dma_semaphore, #tpu.memory_space<semaphore_mem>>)
      %dma_wait3A_296 = arith.constant 32 : i32
      %dma_wait3A_297 = tpu.memref_slice %arg8[%dma_wait3A_296] : memref<128xf32, #tpu.memory_space<vmem>> -> memref<32xf32, #tpu.memory_space<vmem>>
      %dma_wait3A_298 = tpu.memref_slice %arg4[%add3A_276] : memref<5120xf32, #tpu.memory_space<hbm>> -> memref<32xf32, #tpu.memory_space<hbm>>
      %dma_wait3A_299 = tpu.memref_slice %arg4[%add3A_276] : memref<5120xf32, #tpu.memory_space<hbm>> -> memref<32xf32, #tpu.memory_space<hbm>>
      %dma_wait3A_300 = arith.constant 32 : i32
      %dma_wait3A_301 = tpu.memref_slice %arg8[%dma_wait3A_300] : memref<128xf32, #tpu.memory_space<vmem>> -> memref<32xf32, #tpu.memory_space<vmem>>
      tpu.wait_dma2 semaphore(%run_scoped3A : memref<!tpu.dma_semaphore, #tpu.memory_space<semaphore_mem>>) src(%dma_wait3A_301 : memref<32xf32, #tpu.memory_space<vmem>>) dst(%dma_wait3A_299 : memref<32xf32, #tpu.memory_space<hbm>>)
      tpu.yield
    }) : () -> ()
    %add3A_277 = arith.constant 2048 : i32
    %add3A_278 = arith.addi %add3A_277, %mul3A_2 : i32
    "tpu.region"() ({
      %run_scoped3A = tpu.sem_alloc : memref<!tpu.dma_semaphore, #tpu.memory_space<semaphore_mem>>
      %dma_start3A_290 = arith.constant 64 : i32
      %dma_start3A_291 = tpu.memref_slice %arg8[%dma_start3A_290] : memref<128xf32, #tpu.memory_space<vmem>> -> memref<32xf32, #tpu.memory_space<vmem>>
      %dma_start3A_292 = tpu.memref_slice %arg4[%add3A_278] : memref<5120xf32, #tpu.memory_space<hbm>> -> memref<32xf32, #tpu.memory_space<hbm>>
      %dma_start3A_293 = tpu.memref_slice %arg4[%add3A_278] : memref<5120xf32, #tpu.memory_space<hbm>> -> memref<32xf32, #tpu.memory_space<hbm>>
      %dma_start3A_294 = arith.constant 64 : i32
      %dma_start3A_295 = tpu.memref_slice %arg8[%dma_start3A_294] : memref<128xf32, #tpu.memory_space<vmem>> -> memref<32xf32, #tpu.memory_space<vmem>>
      tpu.enqueue_dma source(%dma_start3A_295 : memref<32xf32, #tpu.memory_space<vmem>>) target(%dma_start3A_293 : memref<32xf32, #tpu.memory_space<hbm>>) target_semaphore(%run_scoped3A : memref<!tpu.dma_semaphore, #tpu.memory_space<semaphore_mem>>)
      %dma_wait3A_296 = arith.constant 64 : i32
      %dma_wait3A_297 = tpu.memref_slice %arg8[%dma_wait3A_296] : memref<128xf32, #tpu.memory_space<vmem>> -> memref<32xf32, #tpu.memory_space<vmem>>
      %dma_wait3A_298 = tpu.memref_slice %arg4[%add3A_278] : memref<5120xf32, #tpu.memory_space<hbm>> -> memref<32xf32, #tpu.memory_space<hbm>>
      %dma_wait3A_299 = tpu.memref_slice %arg4[%add3A_278] : memref<5120xf32, #tpu.memory_space<hbm>> -> memref<32xf32, #tpu.memory_space<hbm>>
      %dma_wait3A_300 = arith.constant 64 : i32
      %dma_wait3A_301 = tpu.memref_slice %arg8[%dma_wait3A_300] : memref<128xf32, #tpu.memory_space<vmem>> -> memref<32xf32, #tpu.memory_space<vmem>>
      tpu.wait_dma2 semaphore(%run_scoped3A : memref<!tpu.dma_semaphore, #tpu.memory_space<semaphore_mem>>) src(%dma_wait3A_301 : memref<32xf32, #tpu.memory_space<vmem>>) dst(%dma_wait3A_299 : memref<32xf32, #tpu.memory_space<hbm>>)
      tpu.yield
    }) : () -> ()
    %add3A_279 = arith.constant 3072 : i32
    %add3A_280 = arith.addi %add3A_279, %mul3A_2 : i32
    "tpu.region"() ({
      %run_scoped3A = tpu.sem_alloc : memref<!tpu.dma_semaphore, #tpu.memory_space<semaphore_mem>>
      %dma_start3A_290 = arith.constant 96 : i32
      %dma_start3A_291 = tpu.memref_slice %arg8[%dma_start3A_290] : memref<128xf32, #tpu.memory_space<vmem>> -> memref<32xf32, #tpu.memory_space<vmem>>
      %dma_start3A_292 = tpu.memref_slice %arg4[%add3A_280] : memref<5120xf32, #tpu.memory_space<hbm>> -> memref<32xf32, #tpu.memory_space<hbm>>
      %dma_start3A_293 = tpu.memref_slice %arg4[%add3A_280] : memref<5120xf32, #tpu.memory_space<hbm>> -> memref<32xf32, #tpu.memory_space<hbm>>
      %dma_start3A_294 = arith.constant 96 : i32
      %dma_start3A_295 = tpu.memref_slice %arg8[%dma_start3A_294] : memref<128xf32, #tpu.memory_space<vmem>> -> memref<32xf32, #tpu.memory_space<vmem>>
      tpu.enqueue_dma source(%dma_start3A_295 : memref<32xf32, #tpu.memory_space<vmem>>) target(%dma_start3A_293 : memref<32xf32, #tpu.memory_space<hbm>>) target_semaphore(%run_scoped3A : memref<!tpu.dma_semaphore, #tpu.memory_space<semaphore_mem>>)
      %dma_wait3A_296 = arith.constant 96 : i32
      %dma_wait3A_297 = tpu.memref_slice %arg8[%dma_wait3A_296] : memref<128xf32, #tpu.memory_space<vmem>> -> memref<32xf32, #tpu.memory_space<vmem>>
      %dma_wait3A_298 = tpu.memref_slice %arg4[%add3A_280] : memref<5120xf32, #tpu.memory_space<hbm>> -> memref<32xf32, #tpu.memory_space<hbm>>
      %dma_wait3A_299 = tpu.memref_slice %arg4[%add3A_280] : memref<5120xf32, #tpu.memory_space<hbm>> -> memref<32xf32, #tpu.memory_space<hbm>>
      %dma_wait3A_300 = arith.constant 96 : i32
      %dma_wait3A_301 = tpu.memref_slice %arg8[%dma_wait3A_300] : memref<128xf32, #tpu.memory_space<vmem>> -> memref<32xf32, #tpu.memory_space<vmem>>
      tpu.wait_dma2 semaphore(%run_scoped3A : memref<!tpu.dma_semaphore, #tpu.memory_space<semaphore_mem>>) src(%dma_wait3A_301 : memref<32xf32, #tpu.memory_space<vmem>>) dst(%dma_wait3A_299 : memref<32xf32, #tpu.memory_space<hbm>>)
      tpu.yield
    }) : () -> ()
    %broadcast_in_dim3A = arith.constant 1.000000e+00 : f32
    %broadcast_in_dim3A_281 = vector.broadcast %broadcast_in_dim3A : f32 to vector<16xf32>
    %swap3A_282 = arith.constant 0 : index
    %swap3A_283 = tpu.vector_load %arg9[%swap3A_282] {strides = array<i32>} : memref<32xf32, #tpu.memory_space<vmem>>, vector<16xf32>,
    tpu.vector_store %arg9[%swap3A_282], %broadcast_in_dim3A_281 {strides = array<i32>} : memref<32xf32, #tpu.memory_space<vmem>>, vector<16xf32>,
    %broadcast_in_dim3A_284 = arith.constant 1.000000e+00 : f32
    %broadcast_in_dim3A_285 = vector.broadcast %broadcast_in_dim3A_284 : f32 to vector<16xf32>
    %swap3A_286 = arith.constant 16 : index
    %swap3A_287 = tpu.vector_load %arg9[%swap3A_286] {strides = array<i32>} : memref<32xf32, #tpu.memory_space<vmem>>, vector<16xf32>,
    tpu.vector_store %arg9[%swap3A_286], %broadcast_in_dim3A_285 {strides = array<i32>} : memref<32xf32, #tpu.memory_space<vmem>>, vector<16xf32>,
    %add3A_288 = arith.constant 4096 : i32
    %add3A_289 = arith.addi %add3A_288, %mul3A_2 : i32
    "tpu.region"() ({
      %run_scoped3A = tpu.sem_alloc : memref<!tpu.dma_semaphore, #tpu.memory_space<semaphore_mem>>
      %dma_start3A_290 = tpu.memref_slice %arg4[%add3A_289] : memref<5120xf32, #tpu.memory_space<hbm>> -> memref<32xf32, #tpu.memory_space<hbm>>
      %dma_start3A_291 = tpu.memref_slice %arg4[%add3A_289] : memref<5120xf32, #tpu.memory_space<hbm>> -> memref<32xf32, #tpu.memory_space<hbm>>
      tpu.enqueue_dma source(%arg9 : memref<32xf32, #tpu.memory_space<vmem>>) target(%dma_start3A_291 : memref<32xf32, #tpu.memory_space<hbm>>) target_semaphore(%run_scoped3A : memref<!tpu.dma_semaphore, #tpu.memory_space<semaphore_mem>>)
      %dma_wait3A_292 = tpu.memref_slice %arg4[%add3A_289] : memref<5120xf32, #tpu.memory_space<hbm>> -> memref<32xf32, #tpu.memory_space<hbm>>
      %dma_wait3A_293 = tpu.memref_slice %arg4[%add3A_289] : memref<5120xf32, #tpu.memory_space<hbm>> -> memref<32xf32, #tpu.memory_space<hbm>>
      tpu.wait_dma2 semaphore(%run_scoped3A : memref<!tpu.dma_semaphore, #tpu.memory_space<semaphore_mem>>) src(%arg9 : memref<32xf32, #tpu.memory_space<vmem>>) dst(%dma_wait3A_293 : memref<32xf32, #tpu.memory_space<hbm>>)
      tpu.yield
    }) : () -> ()
    return
  }
}

module attributes {stable_mosaic.version = 14 : i64} {
  func.func @_head_body(%arg0: i32, %arg1: memref<5x2048xf32, #tpu.memory_space<vmem>>, %arg2: memref<5x1024xf32, #tpu.memory_space<vmem>>, %arg3: memref<2048x1024xf32, #tpu.memory_space<vmem>>) attributes {dimension_semantics = [#tpu.dimension_semantics<arbitrary>], iteration_bounds = array<i64: 49>, scalar_prefetch = 0 : i64, scratch_operands = 0 : i64, tpu.core_type = #tpu.core_type<tc>, window_params = [{transform_indices = @transform_0, window_bounds = array<i64: 5, 2048>}, {pipeline_mode = #tpu.pipeline_mode<synchronous>, transform_indices = @transform_1, window_bounds = array<i64: 5, 1024>}, {transform_indices = @transform_2, window_bounds = array<i64: 2048, 1024>}]} {
    %get3A = arith.constant 0 : index
    %get3A_0 = arith.constant 0 : index
    %get3A_1 = vector.load %arg1[%get3A, %get3A_0] : memref<5x2048xf32, #tpu.memory_space<vmem>>, vector<5x2048xf32>
    %convert_element_type3A = arith.truncf %get3A_1 : vector<5x2048xf32> to vector<5x2048xbf16>
    %get3A_2 = arith.constant 0 : index
    %get3A_3 = arith.constant 0 : index
    %get3A_4 = vector.load %arg2[%get3A_2, %get3A_3] : memref<5x1024xf32, #tpu.memory_space<vmem>>, vector<5x1024xf32>
    %convert_element_type3A_5 = arith.truncf %get3A_4 : vector<5x1024xf32> to vector<5x1024xbf16>
    %dot_general3A = arith.constant dense<0.000000e+00> : vector<2048x1024xf32>
    %dot_general3A_6 = tpu.matmul %convert_element_type3A, %convert_element_type3A_5, %dot_general3A {dimension_numbers = #tpu.dot_dimension_numbers<[0], [0], [1], [1], [0, 1, 1, 1], [], []>, transpose_lhs_hint = false} : vector<5x2048xbf16>, vector<5x1024xbf16>, vector<2048x1024xf32> -> vector<2048x1024xf32>
    %swap3A = arith.constant 0 : index
    %swap3A_7 = arith.constant 0 : index
    %swap3A_8 = vector.load %arg3[%swap3A, %swap3A_7] : memref<2048x1024xf32, #tpu.memory_space<vmem>>, vector<2048x1024xf32>
    tpu.vector_store %arg3[%swap3A, %swap3A_7], %dot_general3A_6 {strides = array<i32>} : memref<2048x1024xf32, #tpu.memory_space<vmem>>, vector<2048x1024xf32>,
    return
  }
  func.func @transform_0(%arg0: i32) -> (i32, i32) {
    %c0_i32 = arith.constant 0 : i32
    %c0_i32_0 = arith.constant 0 : i32
    return %c0_i32, %arg0 : i32, i32
  }
  func.func @transform_1(%arg0: i32) -> (i32, i32) {
    %c0_i32 = arith.constant 0 : i32
    %c0_i32_0 = arith.constant 0 : i32
    %c0_i32_1 = arith.constant 0 : i32
    return %c0_i32, %c0_i32_0 : i32, i32
  }
  func.func @transform_2(%arg0: i32) -> (i32, i32) {
    %c0_i32 = arith.constant 0 : i32
    %c0_i32_0 = arith.constant 0 : i32
    return %arg0, %c0_i32 : i32, i32
  }
}

</mosaic_0001>

<sc_bundles>
// kernel: kernel.4.cloned.1.call-start
scs
__scs_entry_jumppad:
0x0: {  	(pc) =	sbr.rel $0x88, $3  }
0x1: {  	(tag) =	ssettag $0x0;
	lr =	simm.s32 $0x1  }
0x2: {  	[smem:$0x3F9D] =	sst lr;
	_ =	strace $0xD0000000  }
0x3: {  	_ = 	snop  }
0x4: {  	_ = 	snop  }
0x5: {  	_ = 	snop  }
0x6: {  	_ = 	snop  }
0x7: {  	_ = 	snop  }
__scs_overlays_trampoline_lowered:
0x8: {  	[smem:$0x3FAC] =	sst s0  }
0x9: {  	[smem:$0x3FAD] =	sst s1  }
0xa: {  	[smem:$0x3FAE] =	sst s2  }
0xb: {  	[smem:$0x3FAF] =	sst s3  }
0xc: {  	[smem:$0x3FB0] =	sst s4  }
0xd: {  	[smem:$0x3FB1] =	sst s5  }
0xe: {  	[smem:$0x3FB2] =	sst s6  }
0xf: {  	[smem:$0x3FB3] =	sst s7  }
0x10: {  	[smem:$0x3FB4] =	sst s8  }
0x11: {  	[smem:$0x3FB5] =	sst s9;
	s0 =	simm.s32 @!p0 $0x0  }
0x12: {  	s1 =	sld [smem:$0x3F9B];
	s0 =	simm.s32 @p0 $0x1  }
0x13: {  	[smem:$0x3FB6] =	sst s0;
	s0 =	simm.s32 @!p1 $0x0  }
0x14: {  	s2 =	sld [smem:$0x3F9A];
	s0 =	simm.s32 @p1 $0x1  }
0x15: {  	[smem:$0x3FB7] =	sst s0;
	s0 =	simm.s32 @!p2 $0x0  }
0x16: {  	s3 =	sld [smem:$0x3FDB];
	s0 =	simm.s32 @p2 $0x1  }
0x17: {  	s4 =	simm.s32 $0x1BF5;
	[smem:$0x3FB9] =	sst s0  }
0x18: {  	s0 =	sld [smem:$0x3F9C];
	_ =	swait.ge [sflag:s4], $0x0  }
0x19: {  	s7 =	sld [smem:$0x3F9D]  }
0x1a: {  	s8 =	sadd.s32 $0xFFFFE003, lr  }
0x1b: {  	s9 =	sadd.s32 $0xFFFFFEF7, lr;
	s5 =	simm.s32 $0xFFFFFFFF;
	p2 =	slt.u32 s8, $0xFFFFF086  }
0x1c: {  	p1 =	slt.u32 s9, $0xF7A;
	s5 =	simm.s32 @!p2 $0x0  }
0x1d: {  	s5 =	simm.s32 @p1 $0x1;
	p0 =	seq.s32 s7, s2  }
0x1e: {  	s7 =	smul.u32 @!p0 $0xF7A, s2;
	p2 =	seq.s32 @!p0 s5, $0x0  }
0x1f: {  	s9 =	smul.u32 $0xF7A, s1;
	s8 =	simm.s32 @!p0 $0x1BF5;
	p2 =	por !p2, p0  }
0x20: {  	[sflag:s8] =	ssyncset.s32 @!p0 $0xFFFFF086;
	s6 =	sadd.s32 @!p0 s3, s7;
	s7 =	simm.s32 @!p0 $0x108  }
0x21: {  	s3 =	sadd.s32 s3, s9;
	s6 =	sadd.s32 @!p0 $0x88, s6;
	s7 =	simm.s32 @p2 $0x1082  }
0x22: {  	[simem:s7], [sflag:s8] =	dma.local @!p0 [hbm:s6], $0xF7A  }
0x23: {  	s9 =	sor.u32 $0xD0000000, s2;
	s6 =	simm.s32 $0x108;
	_ =	swait.ge @!p0 [sflag:s8], $0x0  }
0x24: {  	s3 =	sadd.s32 $0x88, s3;
	s6 =	simm.s32 @!p1 $0x1082;
	[sflag:s4] =	ssyncset.s32 $0xFFFFF086  }
0x25: {  	[simem:s6], [sflag:s4] =	dma.local [hbm:s3], $0xF7A  }
0x26: {  	[smem:$0x3F9D] =	sst s1;
	(tag) =	ssettag s2;
	_ =	strace s9  }
0x27: {  	s1 =	sld [smem:$0x3FAD]  }
0x28: {  	s2 =	sld [smem:$0x3FAE]  }
0x29: {  	s4 =	sld [smem:$0x3FB0]  }
0x2a: {  	p0 =	seq.s32 s5, $0x0;
	s5 =	sld [smem:$0x3FB1]  }
0x2b: {  	s6 =	sld [smem:$0x3FB2]  }
0x2c: {  	s7 =	sld [smem:$0x3FB3]  }
0x2d: {  	s3 =	simm.s32 $0x108;
	s8 =	sld [smem:$0x3FB4]  }
0x2e: {  	s3 =	simm.s32 @!p0 $0x1082;
	s9 =	sld [smem:$0x3FB5]  }
0x2f: {  	lr =	sadd.s32 s0, s3;
	s0 =	sld [smem:$0x3FAC]  }
0x30: {  	s3 =	sld [smem:$0x3FAF]  }
0x31: {  	[smem:$0x3FB8] =	sst s10  }
0x32: {  	s10 =	sld [smem:$0x3FB6];
	_ =	sdelay $0x3  }
0x33: {  	p0 =	seq.s32 s10, $0x1;
	s10 =	sld [smem:$0x3FB8];
	_ =	sdelay $0x3  }
0x34: {  	[smem:$0x3FB8] =	sst s10  }
0x35: {  	s10 =	sld [smem:$0x3FB7];
	_ =	sdelay $0x3  }
0x36: {  	p1 =	seq.s32 s10, $0x1;
	s10 =	sld [smem:$0x3FB8];
	_ =	sdelay $0x3  }
0x37: {  	[smem:$0x3FB8] =	sst s10  }
0x38: {  	s10 =	sld [smem:$0x3FB9]  }
0x39: {  	_ = 	snop;
	(pc) =	sbr.ind lr, $3  }
0x3a: {  	_ = 	snop  }
0x3b: {  	_ = 	snop  }
0x3c: {  	p2 =	seq.s32 s10, $0x1;
	s10 =	sld [smem:$0x3FB8]  }
0x3d: {  	_ =	shalt  }
0x3e: {  	_ =	shalt  }
0x3f: {  	_ =	shalt  }
0x40: {  	_ =	shalt  }
0x41: {  	_ =	shalt  }
0x42: {  	_ =	shalt  }
0x43: {  	_ =	shalt  }
0x44: {  	_ =	shalt  }
0x45: {  	_ =	shalt  }
0x46: {  	_ =	shalt  }
0x47: {  	_ =	shalt  }
0x48: {  	_ =	shalt  }
0x49: {  	_ =	shalt  }
0x4a: {  	_ =	shalt  }
0x4b: {  	_ =	shalt  }
0x4c: {  	_ =	shalt  }
0x4d: {  	_ =	shalt  }
0x4e: {  	_ =	shalt  }
0x4f: {  	_ =	shalt  }
0x50: {  	_ =	shalt  }
0x51: {  	_ =	shalt  }
0x52: {  	_ =	shalt  }
0x53: {  	_ =	shalt  }
0x54: {  	_ =	shalt  }
0x55: {  	_ =	shalt  }
0x56: {  	_ =	shalt  }
0x57: {  	_ =	shalt  }
0x58: {  	_ =	shalt  }
0x59: {  	_ =	shalt  }
0x5a: {  	_ =	shalt  }
0x5b: {  	_ =	shalt  }
0x5c: {  	_ =	shalt  }
0x5d: {  	_ =	shalt  }
0x5e: {  	_ =	shalt  }
0x5f: {  	_ =	shalt  }
0x60: {  	_ =	shalt  }
0x61: {  	_ =	shalt  }
0x62: {  	_ =	shalt  }
0x63: {  	_ =	shalt  }
0x64: {  	_ =	shalt  }
0x65: {  	_ =	shalt  }
0x66: {  	_ =	shalt  }
0x67: {  	_ =	shalt  }
0x68: {  	_ =	shalt  }
0x69: {  	_ =	shalt  }
0x6a: {  	_ =	shalt  }
0x6b: {  	_ =	shalt  }
0x6c: {  	_ =	shalt  }
0x6d: {  	_ =	shalt  }
0x6e: {  	_ =	shalt  }
0x6f: {  	_ =	shalt  }
0x70: {  	_ =	shalt  }
0x71: {  	_ =	shalt  }
0x72: {  	_ =	shalt  }
0x73: {  	_ =	shalt  }
0x74: {  	_ =	shalt  }
0x75: {  	_ =	shalt  }
0x76: {  	_ =	shalt  }
0x77: {  	_ =	shalt  }
0x78: {  	_ =	shalt  }
0x79: {  	_ =	shalt  }
0x7a: {  	_ =	shalt  }
0x7b: {  	_ =	shalt  }
0x7c: {  	_ =	shalt  }
0x7d: {  	_ =	shalt  }
0x7e: {  	_ =	shalt  }
0x7f: {  	_ =	shalt  }
0x80: {  	_ =	shalt  }
0x81: {  	_ =	shalt  }
0x82: {  	_ =	shalt  }
0x83: {  	_ =	shalt  }
0x84: {  	_ =	shalt  }
0x85: {  	_ =	shalt  }
0x86: {  	_ =	shalt  }
0x87: {  	_ =	shalt  }
.Lfunc_end0:
.L_simem_size_0:
called_computation_lowered:
.L_overlay_start_0:
0x88: {  	s2 =	sld [smem:$0x3FD9]  }
0x89: {  	s3 =	sld [smem:$0x3FFE];
	_ =	sdelay $0x1  }
0x8a: {  	s1 =	srdreg.scid  }
0x8b: {  	s0 =	sand.u32 $0x1, s1  }
0x8c: {  	s17 =	sshll.u32 s0, $0xA;
	s2 =	sadd.s32 s3, s2  }
0x8d: {  	s2 =	sadd.s32 s2, s17  }
0x8e: {  	[smem:$0x3FC4] =	sst s2  }
0x8f: {  	_ = 	snop  }
0x90: {  	s2 =	sld [smem:$0x3FC9]  }
0x91: {  	s18 =	sld [smem:$0x3FD0];
	(tm) =	ssettm $0x1  }
0x92: {  	s4 =	sld [smem:$0x3FFB];
	_ =	sdelay $0x3  }
0x93: {  	_ =	strace s4  }
0x94: {  	s4 =	sld [smem:$0x3FFC];
	_ =	sdelay $0x3  }
0x95: {  	_ =	strace s4  }
0x96: {  	s4 =	sld [smem:$0x3FFD];
	_ =	sdelay $0x3  }
0x97: {  	_ =	strace s4  }
0x98: {  	_ =	strace $0x8FFFFFFF  }
0x99: {  	s19 =	sld [smem:$0x3FDB];
	_ =	sdelay $0x1  }
0x9a: {  	s5 =	simm.s32 $_scs_section_size  }
0x9b: {  	s6 =	simm.s32 $_size__tile_overlayer_lowered;
	s7 =	simm.s32 $_tile_overlayer_lowered  }
0x9c: {  	s22 =	simm.s32 $0x1BFF;
	s21 =	sshll.u32 s7, $0x1;
	s4 =	sadd.s32 s5, s19  }
0x9d: {  	s8 =	simm.s32 $0x0;
	s20 =	sshll.u32 s6, $0x1;
	s6 =	sadd.s32 s21, s4  }
0x9e: {  	[timem:s8], [sflag:s22] =	dma.local [hbm:s6], s20  }
0x9f: {  	_ =	swait.ge [sflag:s22], s20  }
0xa0: {  	s5 =	ssub.s32 $0x0, s20;
	[sflag:s22] =	ssyncset.done $0x0  }
0xa1: {  	[sflag:s22] =	ssyncadd.s32 s5;
	_ =	sdelay $0x1  }
0xa2: {  	s23 =	simm.s32 $0x1B8B  }
0xa3: {  	_ =	swait.ge [sflag:s23], $0x1  }
0xa4: {  	[sflag:s23] =	ssyncset.done $0x0  }
0xa5: {  	s25 =	simm.s32 $0x1B8E;
	s24 =	sld [smem:$0x3FFE];
	[sflag:s23] =	ssyncadd.s32 $0xFFFFFFFF  }
0xa6: {  	s26 =	simm.s32 $execute0_lowered;
	[smem:$0x3FD2] =	sst s25  }
0xa7: {  	s6 =	sshll.u32 s26, $0x1;
	_ =	strace $0x80000046;
	[dreg:$0x1] =	wrdreg $0xFFFFFFFF  }
0xa8: {  	s28 =	simm.s32 $_size_execute0_lowered;
	s4 =	sadd.s32 s4, s6;
	[dreg:$0x0] =	wrdreg $0x0  }
0xa9: {  	s6 =	sshll.u32 s28, $0x1;
	[dreg:$0x2] =	wrdreg s4  }
0xaa: {  	[dreg:$0x3] =	wrdreg s6  }
0xab: {  	[dreg:$0x4] =	wrdreg $0xC0  }
0xac: {  	_ =	task [dreg:s8], $0x5FFFF  }
0xad: {  	[dreg:$0x1] =	wrdreg $0xFFFFFFFF  }
0xae: {  	[dreg:$0x0] =	wrdreg $0x60  }
0xaf: {  	[dreg:$0x2] =	wrdreg s18  }
0xb0: {  	[dreg:$0x3] =	wrdreg s2  }
0xb1: {  	[dreg:$0x4] =	wrdreg s24  }
0xb2: {  	[dreg:$0x5] =	wrdreg $0x9  }
0xb3: {  	_ =	task.clear_ibuf [dreg:s8], $0x6FFFF;
	_ =	strace $0x90000046  }
0xb4: {  	s29 =	simm.s32 $0x9;
	_ =	strace $0x80000048  }
0xb5: {  	_ =	swait.ge [sflag:s29], $0x1  }
0xb6: {  	[sflag:s29] =	ssyncadd.s32 $0xFFFFFFFF  }
0xb7: {  	_ =	strace $0x90000048  }
0xb8: {  	_ =	sfence  }
0xb9: {  	s30 =	sld [smem:$0x0];
	_ =	sdelay $0x2  }
0xba: {  	s31 =	sshll.u32 s1, $0xD;
	s1 =	sshrl.u32 s1, $0x2  }
0xbb: {  	s3 =	sand.u32 $0x4000, s31;
	s1 =	sadd.s32 s1, s30  }
0xbc: {  	s0 =	sor.u32 s3, s0;
	s1 =	sshll.u32 s1, $0x11  }
0xbd: {  	s0 =	sor.u32 s1, s0  }
0xbe: {  	s0 =	sadd.s32 $0x8F2B, s0  }
0xbf: {  	[sflag:s0] =	ssyncadd.remote.s32 $0x1  }
0xc0: {  	_ =	sfence.sel $0xFFFF  }
0xc1: {  	[dreg:$0x0] =	wrdreg $0xFFFFFFFF;
	(pc) =	sbr.abs _section_cstart, $3  }
0xc2: {  	[dreg:$0x1] =	wrdreg $0xFFFFFFFF  }
0xc3: {  	_ =	task.clear_ibuf [dreg:s8], $0x2FFFF;
	_ =	strace $0x9FFFFFFF  }
0xc4: {  	(tm) =	ssettm $0x7FFFFFFF  }
0xc5: {  	_ =	shalt  }
tec
execute0_lowered:
.L_overlay_start_1:
0x0: {  	(tag) =	ssettag $0x1  }
0x1: {  	s1 =	rddreg [dreg:$0x0]  }
0x2: {  	s4 =	rddreg [dreg:$0x1]  }
0x3: {  	s5 =	rddreg [dreg:$0x2]  }
0x4: {  	s0 =	rddreg [dreg:$0x3];
	s3 =	simm.s32 $0x0;
	s6 =	srdreg.scid  }
0x5: {  	s2 =	stileid.u32;
	s11 =	simm.s32 $0x2;
	s12 =	simm.s32 $0x80  }
0x6: {  	s13 =	simm.s32 $0x100;
	s14 =	simm.s32 $0x1;
	s15 =	simm.s32 $0x4100  }
0x7: {  	s16 =	simm.s32 $0x4120;
	s17 =	simm.s32 $0x4140;
	s18 =	simm.s32 $0x4160  }
0x8: {  	v0 =	vlaneseq.u32;
	s19 =	simm.s32 $0x4180;
	[smem:$0x7FF] =	sst s3;
	s6 =	sand.u32 $0x1, s6  }
0x9: {  	s7 =	sshll.u32 s2, $0x3;
	v1 =	vmul.u32 $0x80, v0;
	s8 =	sshll.u32 s6, $0x2;
	s6 =	ssub.s32 $0x2, s6  }
0xa: {  	_ =	strace $0x80000047;
	s7 =	sor.u32 s8, s7;
	s31 =	sshrl.u32 s6, $0x1  }
0xb: {  	v10 =	vimm.f32 $1.000000000e+00;
	v2 =	vor.u32 $0x10, v0;
	v3 =	vor.u32 $0x800, v1;
	s9 =	sadd.s32 s7, s5;
	s10 =	ssub.s32 s6, s31;
	s4 =	sadd.s32 s4, s7  }
0xc: {  	v4 =	vor.u32 $0x1000, v1;
	v5 =	vor.u32 $0x1800, v1;
	v6 =	vor.u32 $0x2000, v1;
	s5 =	sadd.s32 $0x800, s9;
	s6 =	sadd.s32 $0x880, s9;
	s7 =	sadd.s32 $0x900, s9  }
0xd: {  	v7 =	vor.u32 $0x2800, v1;
	v8 =	vor.u32 $0x3000, v1;
	v9 =	vor.u32 $0x3800, v1;
	s8 =	sadd.s32 $0x980, s9;
	s9 =	sadd.s32 $0xA00, s9;
	s10 =	smax.u32 s10, $0x1  }
.LBB2_1:
0xe: {  	[tilespmem:s3], [sflag:$0x2] =	stream.linear.gather [hbm4b:s4+s3], $0x20, $0x38;
	[tilespmem:$0x4200] =	vst v63  }
0xf: {  	_ =	swait.ge [sflag:s11], $0x20  }
0x10: {  	[sflag:s11] =	ssyncset.done $0x0  }
0x11: {  	[sflag:s11] =	ssyncadd.s32 $0xFFFFFFE0  }
0x12: {  	v11 =	vld.idx.msk [tilespmem:v0+s3+$0x0], $0xffff;
	_ =	sdelay $0x4  }
0x13: {  	v11 =	vshrl.u32 v11, $0x4  }
0x14: {  	v11 =	vand.u32 $0xFFFFFF8, v11  }
0x15: {  	[tilespmem:$0x80] =	vst v11  }
0x16: {  	v11 =	vld.idx.msk [tilespmem:v2+s3+$0x0], $0xffff;
	_ =	sdelay $0x4  }
0x17: {  	v11 =	vshrl.u32 v11, $0x4  }
0x18: {  	v11 =	vand.u32 $0xFFFFFF8, v11  }
0x19: {  	[tilespmem:$0x90] =	vst v11  }
0x1a: {  	v11 =	vld.idx.msk [tilespmem:v0+s3+$0x0], $0xffff;
	_ =	sdelay $0x4  }
0x1b: {  	v11 =	vshrl.u32 v11, $0x4  }
0x1c: {  	v11 =	vand.u32 $0xFFFFFF8, v11  }
0x1d: {  	v11 =	vor.u32 $0x1, v11  }
0x1e: {  	[tilespmem:$0xA0] =	vst v11  }
0x1f: {  	v11 =	vld.idx.msk [tilespmem:v2+s3+$0x0], $0xffff;
	_ =	sdelay $0x4  }
0x20: {  	v11 =	vshrl.u32 v11, $0x4  }
0x21: {  	v11 =	vand.u32 $0xFFFFFF8, v11  }
0x22: {  	v11 =	vor.u32 $0x1, v11  }
0x23: {  	[tilespmem:$0xB0] =	vst v11  }
0x24: {  	v11 =	vld.idx.msk [tilespmem:v0+s3+$0x0], $0xffff;
	_ =	sdelay $0x4  }
0x25: {  	v11 =	vshrl.u32 v11, $0x4  }
0x26: {  	v11 =	vand.u32 $0xFFFFFF8, v11  }
0x27: {  	v11 =	vor.u32 $0x2, v11  }
0x28: {  	[tilespmem:$0xC0] =	vst v11  }
0x29: {  	v11 =	vld.idx.msk [tilespmem:v2+s3+$0x0], $0xffff;
	_ =	sdelay $0x4  }
0x2a: {  	v11 =	vshrl.u32 v11, $0x4  }
0x2b: {  	v11 =	vand.u32 $0xFFFFFF8, v11  }
0x2c: {  	v11 =	vor.u32 $0x2, v11  }
0x2d: {  	[tilespmem:$0xD0] =	vst v11  }
0x2e: {  	v11 =	vld.idx.msk [tilespmem:v0+s3+$0x0], $0xffff;
	_ =	sdelay $0x4  }
0x2f: {  	v11 =	vshrl.u32 v11, $0x4  }
0x30: {  	v11 =	vand.u32 $0xFFFFFF8, v11  }
0x31: {  	v11 =	vor.u32 $0x3, v11  }
0x32: {  	[tilespmem:$0xE0] =	vst v11  }
0x33: {  	v11 =	vld.idx.msk [tilespmem:v2+s3+$0x0], $0xffff;
	_ =	sdelay $0x4  }
0x34: {  	v11 =	vshrl.u32 v11, $0x4  }
0x35: {  	v11 =	vand.u32 $0xFFFFFF8, v11  }
0x36: {  	v11 =	vor.u32 $0x3, v11  }
0x37: {  	[tilespmem:$0xF0] =	vst v11  }
0x38: {  	[tilespmem:s13], [sflag:$0x1] =	stream.indirect.gather [hbm4b:s1+s12], $0x80, s12, s12, $0xb8;
	[tilespmem:$0x4200] =	vst v63  }
0x39: {  	_ =	swait.ge [sflag:s14], $0x4000  }
0x3a: {  	[sflag:s14] =	ssyncset.done $0x0  }
0x3b: {  	[sflag:s14] =	ssyncadd.s32 $0xFFFFC000  }
0x3c: {  	v11 =	vld.idx.msk [tilespmem:v0+s3+$0x0], $0xffff;
	_ =	sdelay $0x4  }
0x3d: {  	v11 =	vand.u32 $0x7F, v11  }
0x3e: {  	v11 =	vor.u32 v1, v11;
	_ =	sdelay $0x4  }
0x3f: {  	v11 =	vld.idx.msk [tilespmem:v11+s13+$0x0], $0xffff;
	_ =	sdelay $0x4  }
0x40: {  	[tilespmem:$0x4100] =	vst v11  }
0x41: {  	v11 =	vld.idx.msk [tilespmem:v2+s3+$0x0], $0xffff;
	_ =	sdelay $0x4  }
0x42: {  	v11 =	vand.u32 $0x7F, v11  }
0x43: {  	v11 =	vor.u32 v3, v11;
	_ =	sdelay $0x4  }
0x44: {  	v11 =	vld.idx.msk [tilespmem:v11+s13+$0x0], $0xffff;
	_ =	sdelay $0x4  }
0x45: {  	[tilespmem:$0x4110] =	vst v11  }
0x46: {  	v11 =	vld.idx.msk [tilespmem:v0+s3+$0x0], $0xffff;
	_ =	sdelay $0x4  }
0x47: {  	v11 =	vand.u32 $0x7F, v11  }
0x48: {  	v11 =	vor.u32 v4, v11;
	_ =	sdelay $0x4  }
0x49: {  	v11 =	vld.idx.msk [tilespmem:v11+s13+$0x0], $0xffff;
	_ =	sdelay $0x4  }
0x4a: {  	[tilespmem:$0x4120] =	vst v11  }
0x4b: {  	v11 =	vld.idx.msk [tilespmem:v2+s3+$0x0], $0xffff;
	_ =	sdelay $0x4  }
0x4c: {  	v11 =	vand.u32 $0x7F, v11  }
0x4d: {  	v11 =	vor.u32 v5, v11;
	_ =	sdelay $0x4  }
0x4e: {  	v11 =	vld.idx.msk [tilespmem:v11+s13+$0x0], $0xffff;
	_ =	sdelay $0x4  }
0x4f: {  	[tilespmem:$0x4130] =	vst v11  }
0x50: {  	v11 =	vld.idx.msk [tilespmem:v0+s3+$0x0], $0xffff;
	_ =	sdelay $0x4  }
0x51: {  	v11 =	vand.u32 $0x7F, v11  }
0x52: {  	v11 =	vor.u32 v6, v11;
	_ =	sdelay $0x4  }
0x53: {  	v11 =	vld.idx.msk [tilespmem:v11+s13+$0x0], $0xffff;
	_ =	sdelay $0x4  }
0x54: {  	[tilespmem:$0x4140] =	vst v11  }
0x55: {  	v11 =	vld.idx.msk [tilespmem:v2+s3+$0x0], $0xffff;
	_ =	sdelay $0x4  }
0x56: {  	v11 =	vand.u32 $0x7F, v11  }
0x57: {  	v11 =	vor.u32 v7, v11;
	_ =	sdelay $0x4  }
0x58: {  	v11 =	vld.idx.msk [tilespmem:v11+s13+$0x0], $0xffff;
	_ =	sdelay $0x4  }
0x59: {  	[tilespmem:$0x4150] =	vst v11  }
0x5a: {  	v11 =	vld.idx.msk [tilespmem:v0+s3+$0x0], $0xffff;
	_ =	sdelay $0x4  }
0x5b: {  	v11 =	vand.u32 $0x7F, v11  }
0x5c: {  	v11 =	vor.u32 v8, v11;
	_ =	sdelay $0x4  }
0x5d: {  	v11 =	vld.idx.msk [tilespmem:v11+s13+$0x0], $0xffff;
	_ =	sdelay $0x4  }
0x5e: {  	[tilespmem:$0x4160] =	vst v11  }
0x5f: {  	v11 =	vld.idx.msk [tilespmem:v2+s3+$0x0], $0xffff;
	_ =	sdelay $0x4  }
0x60: {  	v11 =	vand.u32 $0x7F, v11  }
0x61: {  	v11 =	vor.u32 v9, v11;
	_ =	sdelay $0x4  }
0x62: {  	v11 =	vld.idx.msk [tilespmem:v11+s13+$0x0], $0xffff;
	_ =	sdelay $0x4  }
0x63: {  	[tilespmem:$0x4170] =	vst v11  }
0x64: {  	[hbm4b:s5+s3] =	stream.linear.scatter [tilespmem:s15], [sflag:$0x2], $0x20, $0x38;
	[tilespmem:$0x4200] =	vst v63  }
0x65: {  	_ =	swait.ge [sflag:s11], $0x20  }
0x66: {  	[sflag:s11] =	ssyncset.done $0x0  }
0x67: {  	[sflag:s11] =	ssyncadd.s32 $0xFFFFFFE0  }
0x68: {  	[hbm4b:s6+s3] =	stream.linear.scatter [tilespmem:s16], [sflag:$0x2], $0x20, $0x38;
	[tilespmem:$0x4200] =	vst v63  }
0x69: {  	_ =	swait.ge [sflag:s11], $0x20  }
0x6a: {  	[sflag:s11] =	ssyncset.done $0x0  }
0x6b: {  	[sflag:s11] =	ssyncadd.s32 $0xFFFFFFE0  }
0x6c: {  	[hbm4b:s7+s3] =	stream.linear.scatter [tilespmem:s17], [sflag:$0x2], $0x20, $0x38;
	[tilespmem:$0x4200] =	vst v63  }
0x6d: {  	_ =	swait.ge [sflag:s11], $0x20  }
0x6e: {  	[sflag:s11] =	ssyncset.done $0x0  }
0x6f: {  	[sflag:s11] =	ssyncadd.s32 $0xFFFFFFE0  }
0x70: {  	[hbm4b:s8+s3] =	stream.linear.scatter [tilespmem:s18], [sflag:$0x2], $0x20, $0x38;
	[tilespmem:$0x4200] =	vst v63  }
0x71: {  	_ =	swait.ge [sflag:s11], $0x20  }
0x72: {  	[sflag:s11] =	ssyncset.done $0x0  }
0x73: {  	[sflag:s11] =	ssyncadd.s32 $0xFFFFFFE0  }
0x74: {  	p0 =	sne.s32 s10, $0x1;
	[tilespmem:$0x4180] =	vst v10  }
.Ltmp0:
0x75: {  	[tilespmem:$0x4190] =	vst v10;
	(pc) =	sbr.rel @p0 .LBB2_1-.Ltmp0, $4  }
0x76: {  	[hbm4b:s9+s3] =	stream.linear.scatter [tilespmem:s19], [sflag:$0x2], $0x20, $0x38;
	[tilespmem:$0x4200] =	vst v63  }
0x77: {  	_ =	swait.ge [sflag:s11], $0x20  }
0x78: {  	[sflag:s11] =	ssyncset.done $0x0  }
0x79: {  	s10 =	sadd.s32 $0xFFFFFFFF, s10;
	[sflag:s11] =	ssyncadd.s32 $0xFFFFFFE0  }
0x7a: {  	_ =	sfence.sel $0x180000  }
0x7b: {  	[bflag:$0x0] =	sbarrier.arrive $0xFFFF  }
0x7c: {  	p0 =	sne.s32 s2, $0x0;
	_ =	strace $0x90000047  }
0x7d: {  	s0 =	sadd.s32 @!p0 $0x100000, s0;
	[bflag:$0x2] =	sbarrier.arrive $0xFFFF  }
0x7e: {  	[sflag:s0] =	ssyncadd.tile.s32 @!p0 $0x1;
	_ =	shalt  }
.Lfunc_end2:
_tile_overlayer_lowered:
.L_overlay_start_2:
0x7f: {  	(tag) =	ssettag $0x2  }
0x80: {  	s0 =	rddreg [dreg:$0x0];
	s2 =	stileid.u32  }
0x81: {  	s1 =	rddreg [dreg:$0x1];
	p0 =	sne.s32 s2, $0x0  }
0x82: {  	s3 =	rddreg [dreg:$0x2];
	[bflag:$0x3] =	sbarrier.arrive $0xFFFF;
	s2 =	simm.s32 @!p0 $0x1C02  }
0x83: {  	[timem:s3], [sflag:s2] =	dma.local @!p0 [hbm:s0], s1  }
0x84: {  	s0 =	simm.s32 @!p0 $0x2  }
0x85: {  	_ =	swait.ge @!p0 [sflag:s0], s1  }
0x86: {  	s1 =	ssub.s32 @!p0 $0x0, s1;
	[sflag:s0] =	ssyncset.done @!p0 $0x0  }
0x87: {  	[sflag:s0] =	ssyncadd.s32 @!p0 s1  }
0x88: {  	[bflag:$0x3] =	sbarrier.arrive $0xFFFF  }
0x89: {  	_ =	shalt  }

</sc_bundles>
